<compile_context>
chip_gen: v7x
topology: tpu7x:2x2x1
jax: 0.10.2.dev20260603
libtpu: 0.0.44.dev20260713+nightly
codegen_flags: <defaults>
</compile_context>

<pallas_src>
import functools

import jax
import jax.numpy as jnp
from jax import lax
from jax.experimental import pallas as pl
from jax.experimental.pallas import tpu as pltpu
from jax.experimental.pallas import tpu_sc as plsc

BASE_GSD = 10
EMBED = 256
DIMQ = EMBED // 4
B, H, W, T, BS = 4, 16, 16, 12, 3
HH = 4


def _month_table():
    months = jnp.arange(12, dtype=jnp.float32)
    angles = 2.0 * jnp.pi * months / 12.0
    half = DIMQ // 2
    freq = jnp.arange(1, half + 1, dtype=jnp.float32)
    arg = angles[:, None] * freq[None, :]
    return jnp.concatenate([jnp.sin(arg), jnp.cos(arg)], axis=-1)


def _pos_embed():
    half = DIMQ // 2
    omega = 1.0 / (10000.0 ** (jnp.arange(half, dtype=jnp.float32) / half))
    out = jnp.arange(T, dtype=jnp.float32)[:, None] * omega
    return jnp.concatenate([jnp.sin(out), jnp.cos(out)], axis=-1)


def _month_gather_sc(mtab, months_flat):
    mesh = plsc.VectorSubcoreMesh(core_axis_name="c", subcore_axis_name="s")

    @functools.partial(
        pl.kernel,
        mesh=mesh,
        out_type=jax.ShapeDtypeStruct((B * T, 2 * DIMQ), jnp.float32),
        scratch_types=[
            pltpu.VMEM((B * T,), jnp.int32),
            pltpu.VMEM((B * T, 2 * DIMQ), jnp.float32),
            pltpu.SemaphoreType.DMA,
        ],
    )
    def gather_kernel(mtab_hbm, idx_hbm, out_hbm, idx_v, rows_v, sem):
        wid = lax.axis_index("s") * 2 + lax.axis_index("c")

        @pl.when(wid == 0)
        def _():
            pltpu.sync_copy(idx_hbm, idx_v)
            pltpu.async_copy(mtab_hbm.at[idx_v], rows_v, sem).wait()
            pltpu.sync_copy(rows_v, out_hbm)

    return gather_kernel(mtab, months_flat)


def _embed_add_kernel(tok_ref, me_ref, pe_ref, ch_ref, gsd_ref,
                      out_ref):
    j = pl.program_id(1)
    me = me_ref[0]
    pe = pe_ref[...]
    ch = ch_ref[...]
    gsd = gsd_ref[0, 0]

    add_ts = jnp.concatenate([
        jnp.broadcast_to(ch[None, :, :], (T, BS, DIMQ)),
        jnp.broadcast_to(pe[:, None, :], (T, BS, DIMQ)),
        jnp.broadcast_to(me[:, None, :], (T, BS, DIMQ)),
        jnp.zeros((T, BS, DIMQ), jnp.float32),
    ], axis=-1)

    half2 = DIMQ // 4
    kf = lax.broadcasted_iota(jnp.int32, (1, half2), 1).astype(jnp.float32)
    omega = jnp.exp(kf * (-jnp.log(10000.0) / half2))
    posf = lax.broadcasted_iota(jnp.int32, (W, 1), 0).astype(jnp.float32) * gsd
    arg = posf * omega
    E = jnp.concatenate([jnp.sin(arg), jnp.cos(arg)], axis=-1)
    hrow = (j * HH + lax.broadcasted_iota(jnp.int32, (HH, 1), 0))
    argh = hrow.astype(jnp.float32) * gsd * omega
    Eh = jnp.concatenate([jnp.sin(argh), jnp.cos(argh)], axis=-1)
    S4 = jnp.concatenate([
        jnp.broadcast_to(Eh[:, None, :], (HH, W, DIMQ // 2)),
        jnp.broadcast_to(E[None, :, :], (HH, W, DIMQ // 2)),
    ], axis=-1)
    sp_hw = jnp.concatenate(
        [jnp.zeros((HH, W, 3 * DIMQ), jnp.float32), S4], axis=-1)

    out_ref[0] = (tok_ref[0] + add_ts[None, :, :, None, :]
                  + sp_hw[:, None, None, :, :])


def kernel(modality_tokens, timestamps, channel_embed, patch_size, input_res):
    b, h, w, t, b_s, d = modality_tokens.shape
    tok = jnp.transpose(modality_tokens, (0, 1, 3, 4, 2, 5))
    months_flat = timestamps[:, :, 1].reshape(b * t)
    gsd = (jnp.asarray(input_res).astype(jnp.float32)
           * jnp.asarray(patch_size).astype(jnp.float32)
           / float(BASE_GSD)).reshape(1, 1)
    mtab128 = jnp.concatenate(
        [_month_table(), jnp.zeros((12, DIMQ), jnp.float32)], axis=-1)
    pe = _pos_embed()
    me = _month_gather_sc(mtab128, months_flat)[:, :DIMQ].reshape(b, t, DIMQ)

    out = pl.pallas_call(
        _embed_add_kernel,
        grid=(b, h // HH),
        in_specs=[
            pl.BlockSpec((1, HH, t, b_s, w, d),
                         lambda i, j: (i, j, 0, 0, 0, 0)),
            pl.BlockSpec((1, t, DIMQ), lambda i, j: (i, 0, 0)),
            pl.BlockSpec((t, DIMQ), lambda i, j: (0, 0)),
            pl.BlockSpec((b_s, DIMQ), lambda i, j: (0, 0)),
            pl.BlockSpec((1, 1), lambda i, j: (0, 0)),
        ],
        out_specs=pl.BlockSpec((1, HH, t, b_s, w, d),
                               lambda i, j: (i, j, 0, 0, 0, 0)),
        out_shape=jax.ShapeDtypeStruct((b, h, t, b_s, w, d), jnp.float32),
        compiler_params=pltpu.CompilerParams(
            dimension_semantics=("parallel", "parallel")),
    )(tok, me, pe, channel_embed, gsd)
    return jnp.transpose(out, (0, 1, 4, 2, 3, 5))

# --- scband reference (transcript-rebuilt; emitter-appended) ---
"""Pipeline reference for scband-flexi-helios-base-38482906972327 (READ-ONLY COPY).

The authoritative reference and input builder live on the scoring server;
editing this copy changes nothing except your own understanding.
"""

import jax, jax.numpy as jnp
import numpy as np

BASE_GSD = 10
EMBED = 256
DIMQ = EMBED // 4  # embedding_dim_per_embedding_type = 64
MAXSEQ = 24
B, H, W, T, BS = 4, 16, 16, 12, 3


def sincos_1d(pos, dim):
    # get_1d_sincos_pos_encoding
    half = dim // 2
    omega = 1.0 / (10000.0 ** (jnp.arange(half, dtype=jnp.float32) / half))
    out = pos.astype(jnp.float32)[..., None] * omega
    return jnp.concatenate([jnp.sin(out), jnp.cos(out)], axis=-1)


def month_table(dim):
    # get_month_encoding_table: 12 months mapped onto a circle
    months = jnp.arange(12, dtype=jnp.float32)
    angles = 2.0 * jnp.pi * months / 12.0
    half = dim // 2
    freq = jnp.arange(1, half + 1, dtype=jnp.float32)
    arg = angles[:, None] * freq[None, :]
    return jnp.concatenate([jnp.sin(arg), jnp.cos(arg)], axis=-1)


def spatial_2d_with_res(grid_size, res, dim):
    # get_2d_sincos_pos_encoding_with_resolution -> [b, h, w, dim]
    half = dim // 2
    grid = jnp.arange(grid_size, dtype=jnp.float32)
    pos = grid[None, :] * res[:, None]  # [b, g]
    emb = sincos_1d(pos, half)  # [b, g, half]
    b = res.shape[0]
    emb_y = jnp.broadcast_to(emb[:, :, None, :], (b, grid_size, grid_size, half))
    emb_x = jnp.broadcast_to(emb[:, None, :, :], (b, grid_size, grid_size, half))
    return jnp.concatenate([emb_y, emb_x], axis=-1)


def setup_inputs(seed: int = 0) -> dict:
    key = jax.random.key(seed)
    k1, k2, k3 = jax.random.split(key, 3)
    modality_tokens = jax.random.normal(k1, (B, H, W, T, BS, EMBED), dtype=jnp.float32)
    timestamps = jax.random.randint(k2, (B, T, 3), 0, 12, dtype=jnp.int32)
    channel_embed = jax.random.normal(k3, (BS, DIMQ), dtype=jnp.float32) * 0.02
    return {
        "modality_tokens": modality_tokens,
        "timestamps": timestamps,
        "channel_embed": channel_embed,
        "patch_size": 8,
        "input_res": 10,
    }


def reference(modality_tokens, timestamps, channel_embed, patch_size, input_res):
    b, h, w, t, b_s, d = modality_tokens.shape
    # pos_embed (frozen) from max_sequence_length, sliced to t
    pos_embed = sincos_1d(jnp.arange(MAXSEQ), DIMQ)[:t]  # [t, DIMQ]
    # month embedding lookup (frozen table)
    mtab = month_table(DIMQ)  # [12, DIMQ]
    months = timestamps[:, :, 1]  # [b, t]
    month_embed = jnp.take(mtab, months, axis=0)  # [b, t, DIMQ]
    # spatial sincos with GSD ratio
    gsd_ratio = (
        jnp.asarray(input_res).astype(jnp.float32)
        * jnp.asarray(patch_size).astype(jnp.float32)
        / float(BASE_GSD)
    )
    res = jnp.ones((b,), dtype=jnp.float32) * gsd_ratio
    spatial = spatial_2d_with_res(h, res, DIMQ)  # [b, h, w, DIMQ]
    # broadcast each quarter encoding to [b,h,w,t,b_s,DIMQ]
    ch = jnp.broadcast_to(channel_embed[None, None, None, None, :, :], (b, h, w, t, b_s, DIMQ))
    pe = jnp.broadcast_to(pos_embed[None, None, None, :, None, :], (b, h, w, t, b_s, DIMQ))
    me = jnp.broadcast_to(month_embed[:, None, None, :, None, :], (b, h, w, t, b_s, DIMQ))
    se = jnp.broadcast_to(spatial[:, :, :, None, None, :], (b, h, w, t, b_s, DIMQ))
    modality_embed = jnp.concatenate([ch, pe, me, se], axis=-1)  # [..., EMBED]
    return modality_tokens + modality_embed

if __name__ == "__main__":
    import jax
    _d = setup_inputs()
    print(jax.jit(kernel)(*tuple(_d.values())))

</pallas_src>

<mosaic_0001>
#map = affine_map<(d0, d1) -> (0, 0)>
#map1 = affine_map<(d0, d1) -> (0)>
module attributes {stable_mosaic.version = 14 : i64} {
  func.func @gather_kernel(%arg0: i32, %arg1: i32, %arg2: memref<12x128xf32, #tpu.memory_space<hbm>>, %arg3: memref<48xi32, #tpu.memory_space<hbm>>, %arg4: memref<48x128xf32, #tpu.memory_space<hbm>>, %arg5: memref<48xi32, #tpu.memory_space<vmem>>, %arg6: memref<48x128xf32, #tpu.memory_space<vmem>>, %arg7: memref<!tpu.dma_semaphore, #tpu.memory_space<semaphore_mem>>) attributes {dimension_semantics = [#tpu.dimension_semantics<core_parallel>, #tpu.dimension_semantics<subcore_parallel>], iteration_bounds = array<i64: 2, 16>, scalar_prefetch = 0 : i64, scratch_operands = 3 : i64, tpu.core_type = #tpu.core_type<sc_vector_subcore>, window_params = [{transform_indices = #map}, {transform_indices = #map1}, {transform_indices = #map}]} {
    %mul3A = arith.constant 2 : i32
    %mul3A_0 = arith.muli %arg1, %mul3A : i32
    %add3A = arith.addi %mul3A_0, %arg0 : i32
    %eq3A = arith.constant 0 : i32
    %eq3A_1 = arith.cmpi eq, %add3A, %eq3A : i32
    %convert_element_type3A = arith.extui %eq3A_1 : i1 to i32
    %cond3A = arith.constant 0 : i32
    %cond3A_2 = arith.cmpi ne, %convert_element_type3A, %cond3A : i32
    scf.if %cond3A_2 {
      "tpu.region"() ({
        %run_scoped3A = tpu.sem_alloc : memref<!tpu.dma_semaphore, #tpu.memory_space<semaphore_mem>>
        tpu.enqueue_dma source(%arg3 : memref<48xi32, #tpu.memory_space<hbm>>) target(%arg5 : memref<48xi32, #tpu.memory_space<vmem>>) target_semaphore(%run_scoped3A : memref<!tpu.dma_semaphore, #tpu.memory_space<semaphore_mem>>)
        tpu.wait_dma2 semaphore(%run_scoped3A : memref<!tpu.dma_semaphore, #tpu.memory_space<semaphore_mem>>) src(%arg3 : memref<48xi32, #tpu.memory_space<hbm>>) dst(%arg5 : memref<48xi32, #tpu.memory_space<vmem>>)
        tpu.yield
      }) : () -> ()
      %dma_start3A = arith.constant 0 : i32
      %dma_start3A_3 = arith.constant 0 : i32
      %dma_start3A_4 = tpu.memref_slice %arg2[%dma_start3A, %dma_start3A_3] : memref<12x128xf32, #tpu.memory_space<hbm>> -> memref<12x128xf32, #tpu.memory_space<hbm>>
      tpu.enqueue_indirect_dma source(%dma_start3A_4 : memref<12x128xf32, #tpu.memory_space<hbm>>) target(%arg6 : memref<48x128xf32, #tpu.memory_space<vmem>>) offsets(%arg5 : memref<48xi32, #tpu.memory_space<vmem>>) semaphore(%arg7 : memref<!tpu.dma_semaphore, #tpu.memory_space<semaphore_mem>>)
      %dma_wait3A = arith.constant 0 : i32
      %dma_wait3A_5 = arith.constant 0 : i32
      %dma_wait3A_6 = tpu.memref_slice %arg2[%dma_wait3A, %dma_wait3A_5] : memref<12x128xf32, #tpu.memory_space<hbm>> -> memref<12x128xf32, #tpu.memory_space<hbm>>
      tpu.wait_indirect_dma semaphore(%arg7 : memref<!tpu.dma_semaphore, #tpu.memory_space<semaphore_mem>>) src(%dma_wait3A_6 : memref<12x128xf32, #tpu.memory_space<hbm>>) dst(%arg6 : memref<48x128xf32, #tpu.memory_space<vmem>>)
      "tpu.region"() ({
        %run_scoped3A = tpu.sem_alloc : memref<!tpu.dma_semaphore, #tpu.memory_space<semaphore_mem>>
        tpu.enqueue_dma source(%arg6 : memref<48x128xf32, #tpu.memory_space<vmem>>) target(%arg4 : memref<48x128xf32, #tpu.memory_space<hbm>>) target_semaphore(%run_scoped3A : memref<!tpu.dma_semaphore, #tpu.memory_space<semaphore_mem>>)
        tpu.wait_dma2 semaphore(%run_scoped3A : memref<!tpu.dma_semaphore, #tpu.memory_space<semaphore_mem>>) src(%arg6 : memref<48x128xf32, #tpu.memory_space<vmem>>) dst(%arg4 : memref<48x128xf32, #tpu.memory_space<hbm>>)
        tpu.yield
      }) : () -> ()
    } else {
    }
    return
  }
}

module attributes {stable_mosaic.version = 14 : i64} {
  func.func @_embed_add_kernel(%arg0: i32, %arg1: i32, %arg2: memref<1x4x12x3x16x256xf32, #tpu.memory_space<vmem>>, %arg3: memref<1x12x64xf32, #tpu.memory_space<vmem>>, %arg4: memref<12x64xf32, #tpu.memory_space<vmem>>, %arg5: memref<3x64xf32, #tpu.memory_space<vmem>>, %arg6: memref<1x1xf32, #tpu.memory_space<vmem>>, %arg7: memref<1x4x12x3x16x256xf32, #tpu.memory_space<vmem>>) attributes {dimension_semantics = [#tpu.dimension_semantics<parallel>, #tpu.dimension_semantics<parallel>], iteration_bounds = array<i64: 4, 4>, scalar_prefetch = 0 : i64, scratch_operands = 0 : i64, tpu.core_type = #tpu.core_type<tc>, window_params = [{transform_indices = @transform_0, window_bounds = array<i64: 1, 4, 12, 3, 16, 256>}, {transform_indices = @transform_1, window_bounds = array<i64: 1, 12, 64>}, {pipeline_mode = #tpu.pipeline_mode<synchronous>, transform_indices = @transform_2, window_bounds = array<i64: 12, 64>}, {pipeline_mode = #tpu.pipeline_mode<synchronous>, transform_indices = @transform_3, window_bounds = array<i64: 3, 64>}, {pipeline_mode = #tpu.pipeline_mode<synchronous>, transform_indices = @transform_4, window_bounds = array<i64: 1, 1>}, {transform_indices = @transform_5, window_bounds = array<i64: 1, 4, 12, 3, 16, 256>}]} {
    %get3A = arith.constant 0 : index
    %get3A_0 = arith.constant 0 : index
    %get3A_1 = arith.constant 0 : index
    %get3A_2 = vector.load %arg3[%get3A, %get3A_0, %get3A_1] : memref<1x12x64xf32, #tpu.memory_space<vmem>>, vector<1x12x64xf32>
    %get3A_3 = vector.shape_cast %get3A_2 : vector<1x12x64xf32> to vector<12x64xf32>
    %get3A_4 = arith.constant 0 : index
    %get3A_5 = arith.constant 0 : index
    %get3A_6 = vector.load %arg4[%get3A_4, %get3A_5] : memref<12x64xf32, #tpu.memory_space<vmem>>, vector<12x64xf32>
    %get3A_7 = arith.constant 0 : index
    %get3A_8 = arith.constant 0 : index
    %get3A_9 = vector.load %arg5[%get3A_7, %get3A_8] : memref<3x64xf32, #tpu.memory_space<vmem>>, vector<3x64xf32>
    %get3A_10 = arith.constant 0 : index
    %get3A_11 = arith.constant 0 : index
    %get3A_12 = vector.load %arg6[%get3A_10, %get3A_11] : memref<1x1xf32, #tpu.memory_space<vmem>>, vector<1x1xf32>
    %get3A_13 = vector.extract %get3A_12[0, 0] : f32 from vector<1x1xf32>
    %broadcast_in_dim3A = vector.shape_cast %get3A_9 : vector<3x64xf32> to vector<1x3x64xf32>
    %broadcast_in_dim3A_14 = vector.shape_cast %broadcast_in_dim3A : vector<1x3x64xf32> to vector<1x3x64xf32>
    %broadcast_in_dim3A_15 = vector.broadcast %broadcast_in_dim3A_14 : vector<1x3x64xf32> to vector<12x3x64xf32>
    %broadcast_in_dim3A_16 = vector.shape_cast %get3A_6 : vector<12x64xf32> to vector<12x1x64xf32>
    %broadcast_in_dim3A_17 = vector.shape_cast %broadcast_in_dim3A_16 : vector<12x1x64xf32> to vector<12x1x64xf32>
    %broadcast_in_dim3A_18 = vector.broadcast %broadcast_in_dim3A_17 : vector<12x1x64xf32> to vector<12x3x64xf32>
    %broadcast_in_dim3A_19 = vector.shape_cast %get3A_3 : vector<12x64xf32> to vector<12x1x64xf32>
    %broadcast_in_dim3A_20 = vector.shape_cast %broadcast_in_dim3A_19 : vector<12x1x64xf32> to vector<12x1x64xf32>
    %broadcast_in_dim3A_21 = vector.broadcast %broadcast_in_dim3A_20 : vector<12x1x64xf32> to vector<12x3x64xf32>
    %broadcast_in_dim3A_22 = arith.constant 0.000000e+00 : f32
    %broadcast_in_dim3A_23 = vector.broadcast %broadcast_in_dim3A_22 : f32 to vector<12x3x64xf32>
    %concatenate3A = tpu.concatenate %broadcast_in_dim3A_15, %broadcast_in_dim3A_18, %broadcast_in_dim3A_21, %broadcast_in_dim3A_23 in 2 : vector<12x3x64xf32>, vector<12x3x64xf32>, vector<12x3x64xf32>, vector<12x3x64xf32> -> vector<12x3x256xf32>
    %iota3A = tpu.iota {dimensions = array<i32: 1>} : vector<1x16xi32>
    %convert_element_type3A = arith.sitofp %iota3A : vector<1x16xi32> to vector<1x16xf32>
    %log3A = arith.constant 1.000000e+04 : f32
    %log3A_24 = math.log %log3A : f32
    %neg3A = arith.constant 0.000000e+00 : f32
    %neg3A_25 = arith.subf %neg3A, %log3A_24 : f32
    %div3A = arith.constant 1.600000e+01 : f32
    %div3A_26 = arith.divf %neg3A_25, %div3A : f32
    %mul3A = vector.broadcast %div3A_26 : f32 to vector<1x16xf32>
    %mul3A_27 = arith.mulf %convert_element_type3A, %mul3A : vector<1x16xf32>
    %exp3A = math.exp %mul3A_27 : vector<1x16xf32>
    %iota3A_28 = tpu.iota {dimensions = array<i32: 0>} : vector<16x1xi32>
    %convert_element_type3A_29 = arith.sitofp %iota3A_28 : vector<16x1xi32> to vector<16x1xf32>
    %mul3A_30 = vector.broadcast %get3A_13 : f32 to vector<16x1xf32>
    %mul3A_31 = arith.mulf %convert_element_type3A_29, %mul3A_30 : vector<16x1xf32>
    %mul3A_32 = vector.broadcast %mul3A_31 : vector<16x1xf32> to vector<16x16xf32>
    %mul3A_33 = vector.broadcast %exp3A : vector<1x16xf32> to vector<16x16xf32>
    %mul3A_34 = arith.mulf %mul3A_32, %mul3A_33 : vector<16x16xf32>
    %sin3A = math.sin %mul3A_34 : vector<16x16xf32>
    %cos3A = math.cos %mul3A_34 : vector<16x16xf32>
    %concatenate3A_35 = tpu.concatenate %sin3A, %cos3A in 1 : vector<16x16xf32>, vector<16x16xf32> -> vector<16x32xf32>
    %mul3A_36 = arith.constant 4 : i32
    %mul3A_37 = arith.muli %arg1, %mul3A_36 : i32
    %iota3A_38 = tpu.iota {dimensions = array<i32: 0>} : vector<4x1xi32>
    %add3A = vector.broadcast %mul3A_37 : i32 to vector<4x1xi32>
    %add3A_39 = arith.addi %add3A, %iota3A_38 : vector<4x1xi32>
    %convert_element_type3A_40 = arith.sitofp %add3A_39 : vector<4x1xi32> to vector<4x1xf32>
    %mul3A_41 = vector.broadcast %get3A_13 : f32 to vector<4x1xf32>
    %mul3A_42 = arith.mulf %convert_element_type3A_40, %mul3A_41 : vector<4x1xf32>
    %mul3A_43 = vector.broadcast %mul3A_42 : vector<4x1xf32> to vector<4x16xf32>
    %mul3A_44 = vector.broadcast %exp3A : vector<1x16xf32> to vector<4x16xf32>
    %mul3A_45 = arith.mulf %mul3A_43, %mul3A_44 : vector<4x16xf32>
    %sin3A_46 = math.sin %mul3A_45 : vector<4x16xf32>
    %cos3A_47 = math.cos %mul3A_45 : vector<4x16xf32>
    %concatenate3A_48 = tpu.concatenate %sin3A_46, %cos3A_47 in 1 : vector<4x16xf32>, vector<4x16xf32> -> vector<4x32xf32>
    %broadcast_in_dim3A_49 = vector.shape_cast %concatenate3A_48 : vector<4x32xf32> to vector<4x1x32xf32>
    %broadcast_in_dim3A_50 = vector.shape_cast %broadcast_in_dim3A_49 : vector<4x1x32xf32> to vector<4x1x32xf32>
    %broadcast_in_dim3A_51 = vector.broadcast %broadcast_in_dim3A_50 : vector<4x1x32xf32> to vector<4x16x32xf32>
    %broadcast_in_dim3A_52 = vector.shape_cast %concatenate3A_35 : vector<16x32xf32> to vector<1x16x32xf32>
    %broadcast_in_dim3A_53 = vector.shape_cast %broadcast_in_dim3A_52 : vector<1x16x32xf32> to vector<1x16x32xf32>
    %broadcast_in_dim3A_54 = vector.broadcast %broadcast_in_dim3A_53 : vector<1x16x32xf32> to vector<4x16x32xf32>
    %concatenate3A_55 = tpu.concatenate %broadcast_in_dim3A_51, %broadcast_in_dim3A_54 in 2 : vector<4x16x32xf32>, vector<4x16x32xf32> -> vector<4x16x64xf32>
    %broadcast_in_dim3A_56 = arith.constant 0.000000e+00 : f32
    %broadcast_in_dim3A_57 = vector.broadcast %broadcast_in_dim3A_56 : f32 to vector<4x16x192xf32>
    %concatenate3A_58 = tpu.concatenate %broadcast_in_dim3A_57, %concatenate3A_55 in 2 : vector<4x16x192xf32>, vector<4x16x64xf32> -> vector<4x16x256xf32>
    %get3A_59 = arith.constant 0 : index
    %get3A_60 = arith.constant 0 : index
    %get3A_61 = arith.constant 0 : index
    %get3A_62 = arith.constant 0 : index
    %get3A_63 = arith.constant 0 : index
    %get3A_64 = arith.constant 0 : index
    %get3A_65 = vector.load %arg2[%get3A_59, %get3A_60, %get3A_61, %get3A_62, %get3A_63, %get3A_64] : memref<1x4x12x3x16x256xf32, #tpu.memory_space<vmem>>, vector<1x4x12x3x16x256xf32>
    %get3A_66 = vector.shape_cast %get3A_65 : vector<1x4x12x3x16x256xf32> to vector<4x12x3x16x256xf32>
    %broadcast_in_dim3A_67 = vector.shape_cast %concatenate3A : vector<12x3x256xf32> to vector<1x12x3x1x256xf32>
    %add3A_68 = vector.broadcast %broadcast_in_dim3A_67 : vector<1x12x3x1x256xf32> to vector<4x12x3x16x256xf32>
    %add3A_69 = arith.addf %get3A_66, %add3A_68 : vector<4x12x3x16x256xf32>
    %broadcast_in_dim3A_70 = vector.shape_cast %concatenate3A_58 : vector<4x16x256xf32> to vector<4x1x1x16x256xf32>
    %add3A_71 = vector.broadcast %broadcast_in_dim3A_70 : vector<4x1x1x16x256xf32> to vector<4x12x3x16x256xf32>
    %add3A_72 = arith.addf %add3A_69, %add3A_71 : vector<4x12x3x16x256xf32>
    %swap3A = arith.constant 0 : index
    %swap3A_73 = arith.constant 0 : index
    %swap3A_74 = arith.constant 0 : index
    %swap3A_75 = arith.constant 0 : index
    %swap3A_76 = arith.constant 0 : index
    %swap3A_77 = arith.constant 0 : index
    %swap3A_78 = vector.load %arg7[%swap3A, %swap3A_73, %swap3A_74, %swap3A_75, %swap3A_76, %swap3A_77] : memref<1x4x12x3x16x256xf32, #tpu.memory_space<vmem>>, vector<1x4x12x3x16x256xf32>
    %swap3A_79 = vector.shape_cast %swap3A_78 : vector<1x4x12x3x16x256xf32> to vector<4x12x3x16x256xf32>
    %swap3A_80 = vector.shape_cast %add3A_72 : vector<4x12x3x16x256xf32> to vector<1x4x12x3x16x256xf32>
    tpu.vector_store %arg7[%swap3A, %swap3A_73, %swap3A_74, %swap3A_75, %swap3A_76, %swap3A_77], %swap3A_80 {strides = array<i32>} : memref<1x4x12x3x16x256xf32, #tpu.memory_space<vmem>>, vector<1x4x12x3x16x256xf32>,
    return
  }
  func.func @transform_0(%arg0: i32, %arg1: i32) -> (i32, i32, i32, i32, i32, i32) {
    %c0_i32 = arith.constant 0 : i32
    %c0_i32_0 = arith.constant 0 : i32
    %c0_i32_1 = arith.constant 0 : i32
    %c0_i32_2 = arith.constant 0 : i32
    %c0_i32_3 = arith.constant 0 : i32
    return %arg0, %arg1, %c0_i32, %c0_i32_0, %c0_i32_1, %c0_i32_2 : i32, i32, i32, i32, i32, i32
  }
  func.func @transform_1(%arg0: i32, %arg1: i32) -> (i32, i32, i32) {
    %c0_i32 = arith.constant 0 : i32
    %c0_i32_0 = arith.constant 0 : i32
    %c0_i32_1 = arith.constant 0 : i32
    return %arg0, %c0_i32, %c0_i32_0 : i32, i32, i32
  }
  func.func @transform_2(%arg0: i32, %arg1: i32) -> (i32, i32) {
    %c0_i32 = arith.constant 0 : i32
    %c0_i32_0 = arith.constant 0 : i32
    %c0_i32_1 = arith.constant 0 : i32
    return %c0_i32, %c0_i32_0 : i32, i32
  }
  func.func @transform_3(%arg0: i32, %arg1: i32) -> (i32, i32) {
    %c0_i32 = arith.constant 0 : i32
    %c0_i32_0 = arith.constant 0 : i32
    %c0_i32_1 = arith.constant 0 : i32
    return %c0_i32, %c0_i32_0 : i32, i32
  }
  func.func @transform_4(%arg0: i32, %arg1: i32) -> (i32, i32) {
    %c0_i32 = arith.constant 0 : i32
    %c0_i32_0 = arith.constant 0 : i32
    %c0_i32_1 = arith.constant 0 : i32
    return %c0_i32, %c0_i32_0 : i32, i32
  }
  func.func @transform_5(%arg0: i32, %arg1: i32) -> (i32, i32, i32, i32, i32, i32) {
    %c0_i32 = arith.constant 0 : i32
    %c0_i32_0 = arith.constant 0 : i32
    %c0_i32_1 = arith.constant 0 : i32
    %c0_i32_2 = arith.constant 0 : i32
    %c0_i32_3 = arith.constant 0 : i32
    return %arg0, %arg1, %c0_i32, %c0_i32_0, %c0_i32_1, %c0_i32_2 : i32, i32, i32, i32, i32, i32
  }
}

</mosaic_0001>

<sc_bundles>
// kernel: kernel.4.cloned.1.call-start
scs
__scs_entry_jumppad:
0x0: {  	(pc) =	sbr.rel $0x88, $3  }
0x1: {  	(tag) =	ssettag $0x0;
	lr =	simm.s32 $0x1  }
0x2: {  	[smem:$0x3F9C] =	sst lr;
	_ =	strace $0xD0000000  }
0x3: {  	_ = 	snop  }
0x4: {  	_ = 	snop  }
0x5: {  	_ = 	snop  }
0x6: {  	_ = 	snop  }
0x7: {  	_ = 	snop  }
__scs_overlays_trampoline_lowered:
0x8: {  	[smem:$0x3FAB] =	sst s0  }
0x9: {  	[smem:$0x3FAC] =	sst s1  }
0xa: {  	[smem:$0x3FAD] =	sst s2  }
0xb: {  	[smem:$0x3FAE] =	sst s3  }
0xc: {  	[smem:$0x3FAF] =	sst s4  }
0xd: {  	[smem:$0x3FB0] =	sst s5  }
0xe: {  	[smem:$0x3FB1] =	sst s6  }
0xf: {  	[smem:$0x3FB2] =	sst s7  }
0x10: {  	[smem:$0x3FB3] =	sst s8  }
0x11: {  	[smem:$0x3FB4] =	sst s9;
	s0 =	simm.s32 @!p0 $0x0  }
0x12: {  	s1 =	sld [smem:$0x3F9A];
	s0 =	simm.s32 @p0 $0x1  }
0x13: {  	[smem:$0x3FB5] =	sst s0;
	s0 =	simm.s32 @!p1 $0x0  }
0x14: {  	s2 =	sld [smem:$0x3F99];
	s0 =	simm.s32 @p1 $0x1  }
0x15: {  	[smem:$0x3FB6] =	sst s0;
	s0 =	simm.s32 @!p2 $0x0  }
0x16: {  	s3 =	sld [smem:$0x3FDB];
	s0 =	simm.s32 @p2 $0x1  }
0x17: {  	s4 =	simm.s32 $0x1BF5;
	[smem:$0x3FB8] =	sst s0  }
0x18: {  	s0 =	sld [smem:$0x3F9B];
	_ =	swait.ge [sflag:s4], $0x0  }
0x19: {  	s7 =	sld [smem:$0x3F9C]  }
0x1a: {  	s8 =	sadd.s32 $0xFFFFE003, lr  }
0x1b: {  	s9 =	sadd.s32 $0xFFFFFEF7, lr;
	s5 =	simm.s32 $0xFFFFFFFF;
	p2 =	slt.u32 s8, $0xFFFFF086  }
0x1c: {  	p1 =	slt.u32 s9, $0xF7A;
	s5 =	simm.s32 @!p2 $0x0  }
0x1d: {  	s5 =	simm.s32 @p1 $0x1;
	p0 =	seq.s32 s7, s2  }
0x1e: {  	s7 =	smul.u32 @!p0 $0xF7A, s2;
	p2 =	seq.s32 @!p0 s5, $0x0  }
0x1f: {  	s9 =	smul.u32 $0xF7A, s1;
	s8 =	simm.s32 @!p0 $0x1BF5;
	p2 =	por !p2, p0  }
0x20: {  	[sflag:s8] =	ssyncset.s32 @!p0 $0xFFFFF086;
	s6 =	sadd.s32 @!p0 s3, s7;
	s7 =	simm.s32 @!p0 $0x108  }
0x21: {  	s3 =	sadd.s32 s3, s9;
	s6 =	sadd.s32 @!p0 $0x88, s6;
	s7 =	simm.s32 @p2 $0x1082  }
0x22: {  	[simem:s7], [sflag:s8] =	dma.local @!p0 [hbm:s6], $0xF7A  }
0x23: {  	s9 =	sor.u32 $0xD0000000, s2;
	s6 =	simm.s32 $0x108;
	_ =	swait.ge @!p0 [sflag:s8], $0x0  }
0x24: {  	s3 =	sadd.s32 $0x88, s3;
	s6 =	simm.s32 @!p1 $0x1082;
	[sflag:s4] =	ssyncset.s32 $0xFFFFF086  }
0x25: {  	[simem:s6], [sflag:s4] =	dma.local [hbm:s3], $0xF7A  }
0x26: {  	[smem:$0x3F9C] =	sst s1;
	(tag) =	ssettag s2;
	_ =	strace s9  }
0x27: {  	s1 =	sld [smem:$0x3FAC]  }
0x28: {  	s2 =	sld [smem:$0x3FAD]  }
0x29: {  	s4 =	sld [smem:$0x3FAF]  }
0x2a: {  	p0 =	seq.s32 s5, $0x0;
	s5 =	sld [smem:$0x3FB0]  }
0x2b: {  	s6 =	sld [smem:$0x3FB1]  }
0x2c: {  	s7 =	sld [smem:$0x3FB2]  }
0x2d: {  	s3 =	simm.s32 $0x108;
	s8 =	sld [smem:$0x3FB3]  }
0x2e: {  	s3 =	simm.s32 @!p0 $0x1082;
	s9 =	sld [smem:$0x3FB4]  }
0x2f: {  	lr =	sadd.s32 s0, s3;
	s0 =	sld [smem:$0x3FAB]  }
0x30: {  	s3 =	sld [smem:$0x3FAE]  }
0x31: {  	[smem:$0x3FB7] =	sst s10  }
0x32: {  	s10 =	sld [smem:$0x3FB5];
	_ =	sdelay $0x3  }
0x33: {  	p0 =	seq.s32 s10, $0x1;
	s10 =	sld [smem:$0x3FB7];
	_ =	sdelay $0x3  }
0x34: {  	[smem:$0x3FB7] =	sst s10  }
0x35: {  	s10 =	sld [smem:$0x3FB6];
	_ =	sdelay $0x3  }
0x36: {  	p1 =	seq.s32 s10, $0x1;
	s10 =	sld [smem:$0x3FB7];
	_ =	sdelay $0x3  }
0x37: {  	[smem:$0x3FB7] =	sst s10  }
0x38: {  	s10 =	sld [smem:$0x3FB8]  }
0x39: {  	_ = 	snop;
	(pc) =	sbr.ind lr, $3  }
0x3a: {  	_ = 	snop  }
0x3b: {  	_ = 	snop  }
0x3c: {  	p2 =	seq.s32 s10, $0x1;
	s10 =	sld [smem:$0x3FB7]  }
0x3d: {  	_ =	shalt  }
0x3e: {  	_ =	shalt  }
0x3f: {  	_ =	shalt  }
0x40: {  	_ =	shalt  }
0x41: {  	_ =	shalt  }
0x42: {  	_ =	shalt  }
0x43: {  	_ =	shalt  }
0x44: {  	_ =	shalt  }
0x45: {  	_ =	shalt  }
0x46: {  	_ =	shalt  }
0x47: {  	_ =	shalt  }
0x48: {  	_ =	shalt  }
0x49: {  	_ =	shalt  }
0x4a: {  	_ =	shalt  }
0x4b: {  	_ =	shalt  }
0x4c: {  	_ =	shalt  }
0x4d: {  	_ =	shalt  }
0x4e: {  	_ =	shalt  }
0x4f: {  	_ =	shalt  }
0x50: {  	_ =	shalt  }
0x51: {  	_ =	shalt  }
0x52: {  	_ =	shalt  }
0x53: {  	_ =	shalt  }
0x54: {  	_ =	shalt  }
0x55: {  	_ =	shalt  }
0x56: {  	_ =	shalt  }
0x57: {  	_ =	shalt  }
0x58: {  	_ =	shalt  }
0x59: {  	_ =	shalt  }
0x5a: {  	_ =	shalt  }
0x5b: {  	_ =	shalt  }
0x5c: {  	_ =	shalt  }
0x5d: {  	_ =	shalt  }
0x5e: {  	_ =	shalt  }
0x5f: {  	_ =	shalt  }
0x60: {  	_ =	shalt  }
0x61: {  	_ =	shalt  }
0x62: {  	_ =	shalt  }
0x63: {  	_ =	shalt  }
0x64: {  	_ =	shalt  }
0x65: {  	_ =	shalt  }
0x66: {  	_ =	shalt  }
0x67: {  	_ =	shalt  }
0x68: {  	_ =	shalt  }
0x69: {  	_ =	shalt  }
0x6a: {  	_ =	shalt  }
0x6b: {  	_ =	shalt  }
0x6c: {  	_ =	shalt  }
0x6d: {  	_ =	shalt  }
0x6e: {  	_ =	shalt  }
0x6f: {  	_ =	shalt  }
0x70: {  	_ =	shalt  }
0x71: {  	_ =	shalt  }
0x72: {  	_ =	shalt  }
0x73: {  	_ =	shalt  }
0x74: {  	_ =	shalt  }
0x75: {  	_ =	shalt  }
0x76: {  	_ =	shalt  }
0x77: {  	_ =	shalt  }
0x78: {  	_ =	shalt  }
0x79: {  	_ =	shalt  }
0x7a: {  	_ =	shalt  }
0x7b: {  	_ =	shalt  }
0x7c: {  	_ =	shalt  }
0x7d: {  	_ =	shalt  }
0x7e: {  	_ =	shalt  }
0x7f: {  	_ =	shalt  }
0x80: {  	_ =	shalt  }
0x81: {  	_ =	shalt  }
0x82: {  	_ =	shalt  }
0x83: {  	_ =	shalt  }
0x84: {  	_ =	shalt  }
0x85: {  	_ =	shalt  }
0x86: {  	_ =	shalt  }
0x87: {  	_ =	shalt  }
.Lfunc_end0:
.L_simem_size_0:
called_computation_lowered:
.L_overlay_start_0:
0x88: {  	s2 =	sld [smem:$0x3FD9]  }
0x89: {  	s3 =	sld [smem:$0x3FFE];
	_ =	sdelay $0x1  }
0x8a: {  	s1 =	srdreg.scid  }
0x8b: {  	s0 =	sand.u32 $0x1, s1  }
0x8c: {  	s17 =	sshll.u32 s0, $0xA;
	s2 =	sadd.s32 s3, s2  }
0x8d: {  	s2 =	sadd.s32 s2, s17  }
0x8e: {  	[smem:$0x3FC3] =	sst s2  }
0x8f: {  	_ = 	snop  }
0x90: {  	s2 =	sld [smem:$0x3FD0];
	(tm) =	ssettm $0x1  }
0x91: {  	s18 =	sld [smem:$0x3FFB];
	_ =	sdelay $0x3  }
0x92: {  	_ =	strace s18  }
0x93: {  	s3 =	sld [smem:$0x3FFC];
	_ =	sdelay $0x3  }
0x94: {  	_ =	strace s3  }
0x95: {  	s3 =	sld [smem:$0x3FFD];
	_ =	sdelay $0x3  }
0x96: {  	_ =	strace s3  }
0x97: {  	_ =	strace $0x8FFFFFFF  }
0x98: {  	s19 =	sld [smem:$0x3FDB];
	_ =	sdelay $0x1  }
0x99: {  	s4 =	simm.s32 $_scs_section_size  }
0x9a: {  	s5 =	simm.s32 $_size__tile_overlayer_lowered;
	s6 =	simm.s32 $_tile_overlayer_lowered  }
0x9b: {  	s22 =	simm.s32 $0x1BFF;
	s21 =	sshll.u32 s6, $0x1;
	s3 =	sadd.s32 s4, s19  }
0x9c: {  	s7 =	simm.s32 $0x0;
	s20 =	sshll.u32 s5, $0x1;
	s5 =	sadd.s32 s21, s3  }
0x9d: {  	[timem:s7], [sflag:s22] =	dma.local [hbm:s5], s20  }
0x9e: {  	_ =	swait.ge [sflag:s22], s20  }
0x9f: {  	s4 =	ssub.s32 $0x0, s20;
	[sflag:s22] =	ssyncset.done $0x0  }
0xa0: {  	[sflag:s22] =	ssyncadd.s32 s4;
	_ =	sdelay $0x1  }
0xa1: {  	s23 =	simm.s32 $0x1B8B  }
0xa2: {  	_ =	swait.ge [sflag:s23], $0x1  }
0xa3: {  	[sflag:s23] =	ssyncset.done $0x0  }
0xa4: {  	s25 =	simm.s32 $0x1B8E;
	s24 =	sld [smem:$0x3FFE];
	[sflag:s23] =	ssyncadd.s32 $0xFFFFFFFF  }
0xa5: {  	s26 =	simm.s32 $execute0_lowered;
	[smem:$0x3FD2] =	sst s25  }
0xa6: {  	s5 =	sshll.u32 s26, $0x1;
	_ =	strace $0x80000046;
	[dreg:$0x1] =	wrdreg $0xFFFFFFFF  }
0xa7: {  	s28 =	simm.s32 $_size_execute0_lowered;
	s3 =	sadd.s32 s3, s5;
	[dreg:$0x0] =	wrdreg $0x0  }
0xa8: {  	s5 =	sshll.u32 s28, $0x1;
	[dreg:$0x2] =	wrdreg s3  }
0xa9: {  	[dreg:$0x3] =	wrdreg s5  }
0xaa: {  	[dreg:$0x4] =	wrdreg $0xC0  }
0xab: {  	_ =	task [dreg:s7], $0x5FFFF  }
0xac: {  	[dreg:$0x1] =	wrdreg $0xFFFFFFFF  }
0xad: {  	[dreg:$0x0] =	wrdreg $0x60  }
0xae: {  	[dreg:$0x2] =	wrdreg s24  }
0xaf: {  	[dreg:$0x3] =	wrdreg s2  }
0xb0: {  	[dreg:$0x4] =	wrdreg $0x9  }
0xb1: {  	_ =	task.clear_ibuf [dreg:s7], $0x5FFFF;
	_ =	strace $0x90000046  }
0xb2: {  	s29 =	simm.s32 $0x9;
	_ =	strace $0x80000048  }
0xb3: {  	_ =	swait.ge [sflag:s29], $0x1  }
0xb4: {  	[sflag:s29] =	ssyncadd.s32 $0xFFFFFFFF  }
0xb5: {  	_ =	strace $0x90000048  }
0xb6: {  	_ =	sfence  }
0xb7: {  	s30 =	sld [smem:$0x0];
	_ =	sdelay $0x2  }
0xb8: {  	s31 =	sshll.u32 s1, $0xD;
	s1 =	sshrl.u32 s1, $0x2  }
0xb9: {  	s3 =	sand.u32 $0x4000, s31;
	s1 =	sadd.s32 s1, s30  }
0xba: {  	s0 =	sor.u32 s3, s0;
	s1 =	sshll.u32 s1, $0x11  }
0xbb: {  	s0 =	sor.u32 s1, s0  }
0xbc: {  	s0 =	sadd.s32 $0x8F2B, s0  }
0xbd: {  	[sflag:s0] =	ssyncadd.remote.s32 $0x1  }
0xbe: {  	_ =	sfence.sel $0xFFFF  }
0xbf: {  	[dreg:$0x0] =	wrdreg $0xFFFFFFFF;
	(pc) =	sbr.abs _section_cstart, $3  }
0xc0: {  	[dreg:$0x1] =	wrdreg $0xFFFFFFFF  }
0xc1: {  	_ =	task.clear_ibuf [dreg:s7], $0x2FFFF;
	_ =	strace $0x9FFFFFFF  }
0xc2: {  	(tm) =	ssettm $0x7FFFFFFF  }
0xc3: {  	_ =	shalt  }
tec
execute0_lowered:
.L_overlay_start_1:
0x0: {  	(tag) =	ssettag $0x1  }
0x1: {  	s0 =	srdreg.scid  }
0x2: {  	s7 =	sand.u32 $0x1, s0;
	s0 =	stileid.u32  }
0x3: {  	s3 =	sshll.u32 s0, $0x1;
	s4 =	ssub.s32 $0x0, s7  }
0x4: {  	p0 =	sne.s32 s3, s4  }
.Ltmp0:
0x5: {  	_ = 	snop;
	(pc) =	sbr.rel @p0 .LBB2_4-.Ltmp0, $4  }
0x6: {  	_ = 	snop  }
0x7: {  	s6 =	rddreg [dreg:$0x0]  }
0x8: {  	s2 =	rddreg [dreg:$0x1]  }
0x9: {  	s1 =	rddreg [dreg:$0x2];
	_ =	strace $0x80000047  }
0xa: {  	s3 =	sadd.s32 $0xA00, s6;
	s5 =	simm.s32 $0x0  }
0xb: {  	s4 =	simm.s32 $0x2;
	s6 =	sadd.s32 $0xC00, s6;
	s10 =	ssub.s32 $0x2, s7  }
0xc: {  	[tilespmem:s5], [sflag:$0x2] =	stream.linear.gather [hbm4b:s3+s5], $0x80, $0x38;
	[tilespmem:$0x1880] =	vst v63  }
0xd: {  	s7 =	simm.s32 $0x30;
	s11 =	sshrl.u32 s10, $0x1;
	_ =	swait.ge [sflag:s4], $0x80  }
0xe: {  	s8 =	simm.s32 $0x80;
	s10 =	ssub.s32 s10, s11;
	[sflag:s4] =	ssyncset.done $0x0  }
0xf: {  	s9 =	simm.s32 $0x1;
	s10 =	smax.u32 s10, $0x1;
	[sflag:s4] =	ssyncadd.s32 $0xFFFFFF80  }
0x10: {  	[tilespmem:s8], [sflag:$0x1] =	stream.indirect.gather [hbm4b:s6+s7], $0x80, s5, s7, $0xb8;
	[tilespmem:$0x1880] =	vst v63  }
0x11: {  	p0 =	sne.s32 s10, $0x1;
	_ =	swait.ge [sflag:s9], $0x1800  }
.Ltmp1:
0x12: {  	[sflag:s9] =	ssyncset.done $0x0;
	(pc) =	sbr.rel @!p0 .LBB2_3-.Ltmp1, $4  }
0x13: {  	[sflag:s9] =	ssyncadd.s32 $0xFFFFE800  }
0x14: {  	[hbm4b:s2+s5] =	stream.linear.scatter [tilespmem:s8], [sflag:$0x2], $0x1800, $0x38;
	[tilespmem:$0x1880] =	vst v63  }
0x15: {  	_ =	swait.ge [sflag:s4], $0x1800  }
0x16: {  	s10 =	sadd.s32 $0xFFFFFFFF, s10;
	[sflag:s4] =	ssyncset.done $0x0  }
.LBB2_2:
0x17: {  	p0 =	sne.s32 s10, $0x1;
	s10 =	sadd.s32 $0xFFFFFFFF, s10;
	[sflag:s4] =	ssyncadd.s32 $0xFFFFE800  }
0x18: {  	[tilespmem:s5], [sflag:$0x2] =	stream.linear.gather [hbm4b:s3+s5], $0x80, $0x38;
	[tilespmem:$0x1880] =	vst v63  }
0x19: {  	_ =	swait.ge [sflag:s4], $0x80  }
0x1a: {  	[sflag:s4] =	ssyncset.done $0x0  }
0x1b: {  	[sflag:s4] =	ssyncadd.s32 $0xFFFFFF80  }
0x1c: {  	[tilespmem:s8], [sflag:$0x1] =	stream.indirect.gather [hbm4b:s6+s7], $0x80, s5, s7, $0xb8;
	[tilespmem:$0x1880] =	vst v63  }
0x1d: {  	_ =	swait.ge [sflag:s9], $0x1800  }
.Ltmp2:
0x1e: {  	[sflag:s9] =	ssyncset.done $0x0;
	(pc) =	sbr.rel @p0 .LBB2_2-.Ltmp2, $4  }
0x1f: {  	[sflag:s9] =	ssyncadd.s32 $0xFFFFE800  }
0x20: {  	[hbm4b:s2+s5] =	stream.linear.scatter [tilespmem:s8], [sflag:$0x2], $0x1800, $0x38;
	[tilespmem:$0x1880] =	vst v63  }
0x21: {  	_ =	swait.ge [sflag:s4], $0x1800  }
0x22: {  	[sflag:s4] =	ssyncset.done $0x0  }
.LBB2_3:
0x23: {  	[sflag:s4] =	ssyncadd.s32 $0xFFFFE800  }
.LBB2_4:
0x24: {  	_ =	sfence.sel $0x180000  }
0x25: {  	[bflag:$0x0] =	sbarrier.arrive $0xFFFF  }
0x26: {  	p0 =	sne.s32 s0, $0x0;
	_ =	strace $0x90000047  }
0x27: {  	s0 =	sadd.s32 @!p0 $0x100000, s1;
	[bflag:$0x2] =	sbarrier.arrive $0xFFFF  }
0x28: {  	[sflag:s0] =	ssyncadd.tile.s32 @!p0 $0x1;
	_ =	shalt  }
.Lfunc_end2:
_tile_overlayer_lowered:
.L_overlay_start_2:
0x29: {  	(tag) =	ssettag $0x2  }
0x2a: {  	s0 =	rddreg [dreg:$0x0];
	s2 =	stileid.u32  }
0x2b: {  	s1 =	rddreg [dreg:$0x1];
	p0 =	sne.s32 s2, $0x0  }
0x2c: {  	s3 =	rddreg [dreg:$0x2];
	[bflag:$0x3] =	sbarrier.arrive $0xFFFF;
	s2 =	simm.s32 @!p0 $0x1C02  }
0x2d: {  	[timem:s3], [sflag:s2] =	dma.local @!p0 [hbm:s0], s1  }
0x2e: {  	s0 =	simm.s32 @!p0 $0x2  }
0x2f: {  	_ =	swait.ge @!p0 [sflag:s0], s1  }
0x30: {  	s1 =	ssub.s32 @!p0 $0x0, s1;
	[sflag:s0] =	ssyncset.done @!p0 $0x0  }
0x31: {  	[sflag:s0] =	ssyncadd.s32 @!p0 s1  }
0x32: {  	[bflag:$0x3] =	sbarrier.arrive $0xFFFF  }
0x33: {  	_ =	shalt  }

</sc_bundles>
